<compile_context>
chip_gen: v7x
topology: tpu7x:2x2x1
jax: 0.10.2.dev20260603
libtpu: 0.0.44.dev20260713+nightly
codegen_flags: <defaults>
</compile_context>

<pallas_src>
import functools

import jax
import jax.numpy as jnp
from jax import lax
from jax.experimental import pallas as pl
from jax.experimental.pallas import tpu as pltpu
from jax.experimental.pallas import tpu_sc as plsc

B = 16
C_IN = 768
HW2 = 1024
K_SUB = 32
LDA_COMP = 128
S_OUT = 128
N_TOT = B * HW2
NW = 32
ROWS_PER_W = (B * K_SUB) // NW


def _sc_gather_kernel(labels_hbm, cc_hbm, ts_hbm, out_cc, out_ts,
                      labels_v, idx_v, rows_cc, rows_ts, sem1, sem2):
    c = lax.axis_index("c")
    s = lax.axis_index("s")
    w = s * 2 + c
    pltpu.sync_copy(labels_hbm, labels_v)
    idx_v[...] = labels_v[...] * K_SUB + w
    cp1 = pltpu.async_copy(cc_hbm.at[idx_v], rows_cc, sem1)
    cp2 = pltpu.async_copy(ts_hbm.at[idx_v], rows_ts, sem2)
    cp1.wait()
    cp2.wait()
    pltpu.sync_copy(rows_cc, out_cc.at[:, w])
    pltpu.sync_copy(rows_ts, out_ts.at[:, w])


_sc_gather = functools.partial(
    pl.kernel,
    mesh=plsc.VectorSubcoreMesh(core_axis_name="c", subcore_axis_name="s"),
    out_type=[jax.ShapeDtypeStruct((B, K_SUB, LDA_COMP), jnp.float32),
              jax.ShapeDtypeStruct((B, K_SUB, S_OUT), jnp.float32)],
    scratch_types=[
        pltpu.VMEM((B,), jnp.int32),
        pltpu.VMEM((B,), jnp.int32),
        pltpu.VMEM((B, LDA_COMP), jnp.float32),
        pltpu.VMEM((B, S_OUT), jnp.float32),
        pltpu.SemaphoreType.DMA,
        pltpu.SemaphoreType.DMA,
    ],
)(_sc_gather_kernel)


def _tc_kernel(x_ref, sp_ref, w_ref, bias_ref, cg_ref, tb_ref, out_ref):
    b = pl.program_id(0)

    x = x_ref[0]
    sp = sp_ref[0]
    w = w_ref[...]
    bias = bias_ref[...]
    cg = cg_ref[0]
    tb = tb_ref[0]

    m = jnp.dot(cg, w, preferred_element_type=jnp.float32)
    a = jnp.dot(m, x, preferred_element_type=jnp.float32)
    q = (jnp.sum(cg * cg, axis=1, keepdims=True)
         - 2.0 * jnp.dot(cg, bias.T, preferred_element_type=jnp.float32))
    score = q - 2.0 * a

    minv = jnp.min(score, axis=0, keepdims=True)
    kio = lax.broadcasted_iota(jnp.int32, (K_SUB, HW2), 0)
    idx = jnp.min(jnp.where(score == minv, kio, K_SUB), axis=0, keepdims=True)
    onehot = (kio == idx).astype(jnp.float32)

    counts = jnp.sum(onehot, axis=1, keepdims=True)
    u = lax.dot_general(onehot, sp, (((1,), (1,)), ((), ())),
                        preferred_element_type=jnp.float32)

    m0 = jnp.max(sp, axis=0, keepdims=True)
    lse = m0 + jnp.log(jnp.sum(jnp.exp(sp - m0), axis=0, keepdims=True))
    sum_lse = jnp.sum(lse, keepdims=True).reshape(1, 1)

    e_blk = jnp.sum(tb * jnp.log(tb), axis=1, keepdims=True)
    loss_b = (jnp.sum(counts * e_blk, keepdims=True).reshape(1, 1)
              - jnp.sum(u * tb, keepdims=True).reshape(1, 1) + sum_lse)

    @pl.when(b == 0)
    def _():
        out_ref[...] = jnp.zeros_like(out_ref)

    out_ref[...] += loss_b


@jax.jit
def kernel(feature_teacher, scores, labels, lda_weight, lda_bias,
           cluster_centers, teacher_scores):
    x = feature_teacher.reshape(B, C_IN, HW2)
    sp = scores.reshape(B, S_OUT, HW2)
    bias2 = lda_bias.reshape(1, LDA_COMP)
    labels32 = labels.astype(jnp.int32)

    gcc, gts = _sc_gather(labels32, cluster_centers, teacher_scores)

    total = pl.pallas_call(
        _tc_kernel,
        grid=(B,),
        in_specs=[
            pl.BlockSpec((1, C_IN, HW2), lambda b: (b, 0, 0)),
            pl.BlockSpec((1, S_OUT, HW2), lambda b: (b, 0, 0)),
            pl.BlockSpec((LDA_COMP, C_IN), lambda b: (0, 0)),
            pl.BlockSpec((1, LDA_COMP), lambda b: (0, 0)),
            pl.BlockSpec((1, K_SUB, LDA_COMP), lambda b: (b, 0, 0)),
            pl.BlockSpec((1, K_SUB, S_OUT), lambda b: (b, 0, 0)),
        ],
        out_specs=pl.BlockSpec((1, 1), lambda b: (0, 0)),
        out_shape=jax.ShapeDtypeStruct((1, 1), jnp.float32),
    )(x, sp, lda_weight, bias2, gcc, gts)
    return total[0, 0] / N_TOT

# --- scband reference (transcript-rebuilt; emitter-appended) ---
"""Pipeline reference for scband-subclass-loss-33483565040216 (READ-ONLY COPY).

The authoritative reference and input builder live on the scoring server;
editing this copy changes nothing except your own understanding.
"""

import jax, jax.numpy as jnp
import numpy as np

B = 16
C_IN = 768
HW = 32
NUM_CLASSES = 128
EMB_SIZE = 4096
EACH_SUBCLASS = EMB_SIZE // NUM_CLASSES  # 32
LDA_COMP = 128
S_OUT = 128  # teacher_scores second dim / scores channel dim


def setup_inputs(seed: int = 0) -> dict:
    key = jax.random.key(seed)
    ks = jax.random.split(key, 8)
    feature_teacher = jax.random.normal(ks[0], (B, C_IN, HW, HW), dtype=jnp.float32)
    scores = jax.random.normal(ks[1], (B, S_OUT, HW, HW), dtype=jnp.float32)
    labels = jax.random.randint(ks[2], (B,), 0, NUM_CLASSES)
    # LDA layer params (fixed, loaded from files in torch): weight [out,in] for 1x1 conv, bias [out]
    lda_weight = jax.random.normal(ks[3], (LDA_COMP, C_IN), dtype=jnp.float32) * 0.02
    lda_bias = jax.random.normal(ks[4], (LDA_COMP,), dtype=jnp.float32) * 0.02
    # codebook of subclass cluster centers [K, code_dim]
    cluster_centers = jax.random.normal(ks[5], (EMB_SIZE, LDA_COMP), dtype=jnp.float32)
    # teacher soft targets per subclass: rows are probability distributions
    teacher_scores = jax.nn.softmax(jax.random.normal(ks[6], (EMB_SIZE, S_OUT), dtype=jnp.float32), axis=-1)
    return {
        'feature_teacher': feature_teacher,
        'scores': scores,
        'labels': labels,
        'lda_weight': lda_weight,
        'lda_bias': lda_bias,
        'cluster_centers': cluster_centers,
        'teacher_scores': teacher_scores,
    }


def reference(feature_teacher, scores, labels, lda_weight, lda_bias, cluster_centers, teacher_scores):
    # LDA layer: 1x1 conv == per-pixel linear projection
    ft = jnp.einsum('bchw,oc->bohw', feature_teacher, lda_weight) + lda_bias[None, :, None, None]
    ft = ft[:, :LDA_COMP, :, :]
    ft = jnp.transpose(ft, (0, 2, 3, 1))  # [B, H, W, C]
    patches = ft.shape[1] ** 2
    flat = ft.reshape(-1, ft.shape[-1])  # [B*H*W, LDA_COMP]
    # squared euclidean distances to codebook
    distances = (jnp.sum(flat ** 2, axis=1, keepdims=True)
                 + jnp.sum(cluster_centers ** 2, axis=1)
                 - 2.0 * flat @ cluster_centers.T)  # [N, K]
    row_max = jnp.max(distances, axis=-1, keepdims=True)
    label_mask = jax.nn.one_hot(labels, NUM_CLASSES, dtype=distances.dtype)  # [B, num_classes]
    label_mask = jnp.repeat(label_mask, EACH_SUBCLASS, axis=1)  # [B, K]
    label_mask = jnp.repeat(label_mask, patches, axis=0)  # [N, K]
    masked_distances = label_mask * (row_max - distances)
    encoding_idx = jnp.argmax(masked_distances, axis=1)  # [N]
    encoding_targets = jax.nn.one_hot(encoding_idx, EACH_SUBCLASS * NUM_CLASSES, dtype=jnp.float32)
    encoding_targets = encoding_targets @ teacher_scores  # [N, S_OUT]
    # sub_dense_prediction with single level, loss_weight 1.0
    sp = jnp.transpose(scores, (0, 2, 3, 1)).reshape(-1, scores.shape[1])  # [N, S_OUT]
    scores_log = jax.nn.log_softmax(sp, axis=1)
    # F.kl_div(scores_log, targets, reduction='batchmean') = sum(xlogy(t, t) - t * log_p) / N
    kl_elem = jax.scipy.special.xlogy(encoding_targets, encoding_targets) - encoding_targets * scores_log
    loss = jnp.sum(kl_elem) / sp.shape[0]
    return loss

if __name__ == "__main__":
    import jax
    _d = setup_inputs()
    print(jax.jit(kernel)(*tuple(_d.values())))

</pallas_src>

<mosaic_0001>
#map = affine_map<(d0, d1) -> (0)>
#map1 = affine_map<(d0, d1) -> (0, 0)>
#map2 = affine_map<(d0, d1) -> (0, 0, 0)>
module attributes {stable_mosaic.version = 14 : i64} {
  func.func @_sc_gather_kernel(%arg0: i32, %arg1: i32, %arg2: memref<16xi32, #tpu.memory_space<hbm>>, %arg3: memref<4096x128xf32, #tpu.memory_space<hbm>>, %arg4: memref<4096x128xf32, #tpu.memory_space<hbm>>, %arg5: memref<16x32x128xf32, #tpu.memory_space<hbm>>, %arg6: memref<16x32x128xf32, #tpu.memory_space<hbm>>, %arg7: memref<16xi32, #tpu.memory_space<vmem>>, %arg8: memref<16xi32, #tpu.memory_space<vmem>>, %arg9: memref<16x128xf32, #tpu.memory_space<vmem>>, %arg10: memref<16x128xf32, #tpu.memory_space<vmem>>, %arg11: memref<!tpu.dma_semaphore, #tpu.memory_space<semaphore_mem>>, %arg12: memref<!tpu.dma_semaphore, #tpu.memory_space<semaphore_mem>>) attributes {dimension_semantics = [#tpu.dimension_semantics<core_parallel>, #tpu.dimension_semantics<subcore_parallel>], iteration_bounds = array<i64: 2, 16>, scalar_prefetch = 0 : i64, scratch_operands = 6 : i64, tpu.core_type = #tpu.core_type<sc_vector_subcore>, window_params = [{transform_indices = #map}, {transform_indices = #map1}, {transform_indices = #map1}, {transform_indices = #map2}, {transform_indices = #map2}]} {
    %mul3A = arith.constant 2 : i32
    %mul3A_0 = arith.muli %arg1, %mul3A : i32
    %add3A = arith.addi %mul3A_0, %arg0 : i32
    "tpu.region"() ({
      %run_scoped3A = tpu.sem_alloc : memref<!tpu.dma_semaphore, #tpu.memory_space<semaphore_mem>>
      tpu.enqueue_dma source(%arg2 : memref<16xi32, #tpu.memory_space<hbm>>) target(%arg7 : memref<16xi32, #tpu.memory_space<vmem>>) target_semaphore(%run_scoped3A : memref<!tpu.dma_semaphore, #tpu.memory_space<semaphore_mem>>)
      tpu.wait_dma2 semaphore(%run_scoped3A : memref<!tpu.dma_semaphore, #tpu.memory_space<semaphore_mem>>) src(%arg2 : memref<16xi32, #tpu.memory_space<hbm>>) dst(%arg7 : memref<16xi32, #tpu.memory_space<vmem>>)
      tpu.yield
    }) : () -> ()
    %get3A = arith.constant 0 : index
    %get3A_1 = tpu.vector_load %arg7[%get3A] {strides = array<i32>} : memref<16xi32, #tpu.memory_space<vmem>>, vector<16xi32>,
    %get3A_2 = vector.shape_cast %get3A_1 : vector<16xi32> to vector<16xi32>
    %mul3A_3 = arith.constant 32 : i32
    %mul3A_4 = vector.broadcast %mul3A_3 : i32 to vector<16xi32>
    %mul3A_5 = arith.muli %get3A_2, %mul3A_4 : vector<16xi32>
    %add3A_6 = vector.broadcast %add3A : i32 to vector<16xi32>
    %add3A_7 = arith.addi %mul3A_5, %add3A_6 : vector<16xi32>
    %swap3A = arith.constant 0 : index
    %swap3A_8 = tpu.vector_load %arg8[%swap3A] {strides = array<i32>} : memref<16xi32, #tpu.memory_space<vmem>>, vector<16xi32>,
    %swap3A_9 = vector.shape_cast %swap3A_8 : vector<16xi32> to vector<16xi32>
    %swap3A_10 = vector.shape_cast %add3A_7 : vector<16xi32> to vector<16xi32>
    tpu.vector_store %arg8[%swap3A], %swap3A_10 {strides = array<i32>} : memref<16xi32, #tpu.memory_space<vmem>>, vector<16xi32>,
    %dma_start3A = arith.constant 0 : i32
    %dma_start3A_11 = arith.constant 0 : i32
    %dma_start3A_12 = tpu.memref_slice %arg3[%dma_start3A, %dma_start3A_11] : memref<4096x128xf32, #tpu.memory_space<hbm>> -> memref<4096x128xf32, #tpu.memory_space<hbm>>
    tpu.enqueue_indirect_dma source(%dma_start3A_12 : memref<4096x128xf32, #tpu.memory_space<hbm>>) target(%arg9 : memref<16x128xf32, #tpu.memory_space<vmem>>) offsets(%arg8 : memref<16xi32, #tpu.memory_space<vmem>>) semaphore(%arg11 : memref<!tpu.dma_semaphore, #tpu.memory_space<semaphore_mem>>)
    %dma_start3A_13 = arith.constant 0 : i32
    %dma_start3A_14 = arith.constant 0 : i32
    %dma_start3A_15 = tpu.memref_slice %arg4[%dma_start3A_13, %dma_start3A_14] : memref<4096x128xf32, #tpu.memory_space<hbm>> -> memref<4096x128xf32, #tpu.memory_space<hbm>>
    tpu.enqueue_indirect_dma source(%dma_start3A_15 : memref<4096x128xf32, #tpu.memory_space<hbm>>) target(%arg10 : memref<16x128xf32, #tpu.memory_space<vmem>>) offsets(%arg8 : memref<16xi32, #tpu.memory_space<vmem>>) semaphore(%arg12 : memref<!tpu.dma_semaphore, #tpu.memory_space<semaphore_mem>>)
    %dma_wait3A = arith.constant 0 : i32
    %dma_wait3A_16 = arith.constant 0 : i32
    %dma_wait3A_17 = tpu.memref_slice %arg3[%dma_wait3A, %dma_wait3A_16] : memref<4096x128xf32, #tpu.memory_space<hbm>> -> memref<4096x128xf32, #tpu.memory_space<hbm>>
    tpu.wait_indirect_dma semaphore(%arg11 : memref<!tpu.dma_semaphore, #tpu.memory_space<semaphore_mem>>) src(%dma_wait3A_17 : memref<4096x128xf32, #tpu.memory_space<hbm>>) dst(%arg9 : memref<16x128xf32, #tpu.memory_space<vmem>>)
    %dma_wait3A_18 = arith.constant 0 : i32
    %dma_wait3A_19 = arith.constant 0 : i32
    %dma_wait3A_20 = tpu.memref_slice %arg4[%dma_wait3A_18, %dma_wait3A_19] : memref<4096x128xf32, #tpu.memory_space<hbm>> -> memref<4096x128xf32, #tpu.memory_space<hbm>>
    tpu.wait_indirect_dma semaphore(%arg12 : memref<!tpu.dma_semaphore, #tpu.memory_space<semaphore_mem>>) src(%dma_wait3A_20 : memref<4096x128xf32, #tpu.memory_space<hbm>>) dst(%arg10 : memref<16x128xf32, #tpu.memory_space<vmem>>)
    "tpu.region"() ({
      %run_scoped3A = tpu.sem_alloc : memref<!tpu.dma_semaphore, #tpu.memory_space<semaphore_mem>>
      %dma_start3A_21 = arith.constant 0 : i32
      %dma_start3A_22 = arith.constant 0 : i32
      %dma_start3A_23 = tpu.memref_slice %arg5[%dma_start3A_21, %add3A, %dma_start3A_22] : memref<16x32x128xf32, #tpu.memory_space<hbm>> -> memref<16x1x128xf32, #tpu.memory_space<hbm>>
      %dma_start3A_24 = tpu.memref_squeeze %dma_start3A_23 : memref<16x1x128xf32, #tpu.memory_space<hbm>> -> memref<16x128xf32, #tpu.memory_space<hbm>>
      %dma_start3A_25 = arith.constant 0 : i32
      %dma_start3A_26 = arith.constant 0 : i32
      %dma_start3A_27 = tpu.memref_slice %arg5[%dma_start3A_25, %add3A, %dma_start3A_26] : memref<16x32x128xf32, #tpu.memory_space<hbm>> -> memref<16x1x128xf32, #tpu.memory_space<hbm>>
      %dma_start3A_28 = tpu.memref_squeeze %dma_start3A_27 : memref<16x1x128xf32, #tpu.memory_space<hbm>> -> memref<16x128xf32, #tpu.memory_space<hbm>>
      tpu.enqueue_dma source(%arg9 : memref<16x128xf32, #tpu.memory_space<vmem>>) target(%dma_start3A_28 : memref<16x128xf32, #tpu.memory_space<hbm>>) target_semaphore(%run_scoped3A : memref<!tpu.dma_semaphore, #tpu.memory_space<semaphore_mem>>)
      %dma_wait3A_29 = arith.constant 0 : i32
      %dma_wait3A_30 = arith.constant 0 : i32
      %dma_wait3A_31 = tpu.memref_slice %arg5[%dma_wait3A_29, %add3A, %dma_wait3A_30] : memref<16x32x128xf32, #tpu.memory_space<hbm>> -> memref<16x1x128xf32, #tpu.memory_space<hbm>>
      %dma_wait3A_32 = tpu.memref_squeeze %dma_wait3A_31 : memref<16x1x128xf32, #tpu.memory_space<hbm>> -> memref<16x128xf32, #tpu.memory_space<hbm>>
      %dma_wait3A_33 = arith.constant 0 : i32
      %dma_wait3A_34 = arith.constant 0 : i32
      %dma_wait3A_35 = tpu.memref_slice %arg5[%dma_wait3A_33, %add3A, %dma_wait3A_34] : memref<16x32x128xf32, #tpu.memory_space<hbm>> -> memref<16x1x128xf32, #tpu.memory_space<hbm>>
      %dma_wait3A_36 = tpu.memref_squeeze %dma_wait3A_35 : memref<16x1x128xf32, #tpu.memory_space<hbm>> -> memref<16x128xf32, #tpu.memory_space<hbm>>
      tpu.wait_dma2 semaphore(%run_scoped3A : memref<!tpu.dma_semaphore, #tpu.memory_space<semaphore_mem>>) src(%arg9 : memref<16x128xf32, #tpu.memory_space<vmem>>) dst(%dma_wait3A_36 : memref<16x128xf32, #tpu.memory_space<hbm>>)
      tpu.yield
    }) : () -> ()
    "tpu.region"() ({
      %run_scoped3A = tpu.sem_alloc : memref<!tpu.dma_semaphore, #tpu.memory_space<semaphore_mem>>
      %dma_start3A_21 = arith.constant 0 : i32
      %dma_start3A_22 = arith.constant 0 : i32
      %dma_start3A_23 = tpu.memref_slice %arg6[%dma_start3A_21, %add3A, %dma_start3A_22] : memref<16x32x128xf32, #tpu.memory_space<hbm>> -> memref<16x1x128xf32, #tpu.memory_space<hbm>>
      %dma_start3A_24 = tpu.memref_squeeze %dma_start3A_23 : memref<16x1x128xf32, #tpu.memory_space<hbm>> -> memref<16x128xf32, #tpu.memory_space<hbm>>
      %dma_start3A_25 = arith.constant 0 : i32
      %dma_start3A_26 = arith.constant 0 : i32
      %dma_start3A_27 = tpu.memref_slice %arg6[%dma_start3A_25, %add3A, %dma_start3A_26] : memref<16x32x128xf32, #tpu.memory_space<hbm>> -> memref<16x1x128xf32, #tpu.memory_space<hbm>>
      %dma_start3A_28 = tpu.memref_squeeze %dma_start3A_27 : memref<16x1x128xf32, #tpu.memory_space<hbm>> -> memref<16x128xf32, #tpu.memory_space<hbm>>
      tpu.enqueue_dma source(%arg10 : memref<16x128xf32, #tpu.memory_space<vmem>>) target(%dma_start3A_28 : memref<16x128xf32, #tpu.memory_space<hbm>>) target_semaphore(%run_scoped3A : memref<!tpu.dma_semaphore, #tpu.memory_space<semaphore_mem>>)
      %dma_wait3A_29 = arith.constant 0 : i32
      %dma_wait3A_30 = arith.constant 0 : i32
      %dma_wait3A_31 = tpu.memref_slice %arg6[%dma_wait3A_29, %add3A, %dma_wait3A_30] : memref<16x32x128xf32, #tpu.memory_space<hbm>> -> memref<16x1x128xf32, #tpu.memory_space<hbm>>
      %dma_wait3A_32 = tpu.memref_squeeze %dma_wait3A_31 : memref<16x1x128xf32, #tpu.memory_space<hbm>> -> memref<16x128xf32, #tpu.memory_space<hbm>>
      %dma_wait3A_33 = arith.constant 0 : i32
      %dma_wait3A_34 = arith.constant 0 : i32
      %dma_wait3A_35 = tpu.memref_slice %arg6[%dma_wait3A_33, %add3A, %dma_wait3A_34] : memref<16x32x128xf32, #tpu.memory_space<hbm>> -> memref<16x1x128xf32, #tpu.memory_space<hbm>>
      %dma_wait3A_36 = tpu.memref_squeeze %dma_wait3A_35 : memref<16x1x128xf32, #tpu.memory_space<hbm>> -> memref<16x128xf32, #tpu.memory_space<hbm>>
      tpu.wait_dma2 semaphore(%run_scoped3A : memref<!tpu.dma_semaphore, #tpu.memory_space<semaphore_mem>>) src(%arg10 : memref<16x128xf32, #tpu.memory_space<vmem>>) dst(%dma_wait3A_36 : memref<16x128xf32, #tpu.memory_space<hbm>>)
      tpu.yield
    }) : () -> ()
    return
  }
}

module attributes {stable_mosaic.version = 14 : i64} {
  func.func @_tc_kernel(%arg0: i32, %arg1: memref<1x768x1024xf32, #tpu.memory_space<vmem>>, %arg2: memref<1x128x1024xf32, #tpu.memory_space<vmem>>, %arg3: memref<128x768xf32, #tpu.memory_space<vmem>>, %arg4: memref<1x128xf32, #tpu.memory_space<vmem>>, %arg5: memref<1x32x128xf32, #tpu.memory_space<vmem>>, %arg6: memref<1x32x128xf32, #tpu.memory_space<vmem>>, %arg7: memref<1x1xf32, #tpu.memory_space<vmem>>) attributes {dimension_semantics = [#tpu.dimension_semantics<arbitrary>], iteration_bounds = array<i64: 16>, scalar_prefetch = 0 : i64, scratch_operands = 0 : i64, tpu.core_type = #tpu.core_type<tc>, window_params = [{transform_indices = @transform_0, window_bounds = array<i64: 1, 768, 1024>}, {transform_indices = @transform_1, window_bounds = array<i64: 1, 128, 1024>}, {pipeline_mode = #tpu.pipeline_mode<synchronous>, transform_indices = @transform_2, window_bounds = array<i64: 128, 768>}, {pipeline_mode = #tpu.pipeline_mode<synchronous>, transform_indices = @transform_3, window_bounds = array<i64: 1, 128>}, {transform_indices = @transform_4, window_bounds = array<i64: 1, 32, 128>}, {transform_indices = @transform_5, window_bounds = array<i64: 1, 32, 128>}, {pipeline_mode = #tpu.pipeline_mode<synchronous>, transform_indices = @transform_6, window_bounds = array<i64: 1, 1>}]} {
    %get3A = arith.constant 0 : index
    %get3A_0 = arith.constant 0 : index
    %get3A_1 = arith.constant 0 : index
    %get3A_2 = vector.load %arg1[%get3A, %get3A_0, %get3A_1] : memref<1x768x1024xf32, #tpu.memory_space<vmem>>, vector<1x768x1024xf32>
    %get3A_3 = vector.shape_cast %get3A_2 : vector<1x768x1024xf32> to vector<768x1024xf32>
    %get3A_4 = arith.constant 0 : index
    %get3A_5 = arith.constant 0 : index
    %get3A_6 = arith.constant 0 : index
    %get3A_7 = vector.load %arg2[%get3A_4, %get3A_5, %get3A_6] : memref<1x128x1024xf32, #tpu.memory_space<vmem>>, vector<1x128x1024xf32>
    %get3A_8 = vector.shape_cast %get3A_7 : vector<1x128x1024xf32> to vector<128x1024xf32>
    %get3A_9 = arith.constant 0 : index
    %get3A_10 = arith.constant 0 : index
    %get3A_11 = vector.load %arg3[%get3A_9, %get3A_10] : memref<128x768xf32, #tpu.memory_space<vmem>>, vector<128x768xf32>
    %get3A_12 = arith.constant 0 : index
    %get3A_13 = arith.constant 0 : index
    %get3A_14 = vector.load %arg4[%get3A_12, %get3A_13] : memref<1x128xf32, #tpu.memory_space<vmem>>, vector<1x128xf32>
    %get3A_15 = arith.constant 0 : index
    %get3A_16 = arith.constant 0 : index
    %get3A_17 = arith.constant 0 : index
    %get3A_18 = vector.load %arg5[%get3A_15, %get3A_16, %get3A_17] : memref<1x32x128xf32, #tpu.memory_space<vmem>>, vector<1x32x128xf32>
    %get3A_19 = vector.shape_cast %get3A_18 : vector<1x32x128xf32> to vector<32x128xf32>
    %get3A_20 = arith.constant 0 : index
    %get3A_21 = arith.constant 0 : index
    %get3A_22 = arith.constant 0 : index
    %get3A_23 = vector.load %arg6[%get3A_20, %get3A_21, %get3A_22] : memref<1x32x128xf32, #tpu.memory_space<vmem>>, vector<1x32x128xf32>
    %get3A_24 = vector.shape_cast %get3A_23 : vector<1x32x128xf32> to vector<32x128xf32>
    %dot_general3A = arith.constant dense<0.000000e+00> : vector<32x768xf32>
    %dot_general3A_25 = tpu.matmul %get3A_19, %get3A_11, %dot_general3A {dimension_numbers = #tpu.dot_dimension_numbers<[1], [0], [0], [1], [0, 0, 1, 1], [], []>, transpose_lhs_hint = false} : vector<32x128xf32>, vector<128x768xf32>, vector<32x768xf32> -> vector<32x768xf32>
    %dot_general3A_26 = arith.constant dense<0.000000e+00> : vector<32x1024xf32>
    %dot_general3A_27 = tpu.matmul %dot_general3A_25, %get3A_3, %dot_general3A_26 {dimension_numbers = #tpu.dot_dimension_numbers<[1], [0], [0], [1], [0, 0, 1, 1], [], []>, transpose_lhs_hint = false} : vector<32x768xf32>, vector<768x1024xf32>, vector<32x1024xf32> -> vector<32x1024xf32>
    %mul3A = arith.mulf %get3A_19, %get3A_19 : vector<32x128xf32>
    %reduce_sum3A = arith.constant dense<0.000000e+00> : vector<32xf32>
    %reduce_sum3A_28 = vector.multi_reduction <add>, %mul3A, %reduce_sum3A [1] : vector<32x128xf32> to vector<32xf32>
    %broadcast_in_dim3A = vector.shape_cast %reduce_sum3A_28 : vector<32xf32> to vector<32x1xf32>
    %transpose3A = tpu.transpose %get3A_14, [1, 0] : vector<1x128xf32> -> vector<128x1xf32>
    %dot_general3A_29 = arith.constant dense<0.000000e+00> : vector<32x1xf32>
    %dot_general3A_30 = tpu.matmul %get3A_19, %transpose3A, %dot_general3A_29 {dimension_numbers = #tpu.dot_dimension_numbers<[1], [0], [0], [1], [0, 0, 1, 1], [], []>, transpose_lhs_hint = false} : vector<32x128xf32>, vector<128x1xf32>, vector<32x1xf32> -> vector<32x1xf32>
    %mul3A_31 = arith.constant 2.000000e+00 : f32
    %mul3A_32 = vector.broadcast %mul3A_31 : f32 to vector<32x1xf32>
    %mul3A_33 = arith.mulf %mul3A_32, %dot_general3A_30 : vector<32x1xf32>
    %sub3A = arith.subf %broadcast_in_dim3A, %mul3A_33 : vector<32x1xf32>
    %mul3A_34 = arith.constant 2.000000e+00 : f32
    %mul3A_35 = vector.broadcast %mul3A_34 : f32 to vector<32x1024xf32>
    %mul3A_36 = arith.mulf %mul3A_35, %dot_general3A_27 : vector<32x1024xf32>
    %sub3A_37 = vector.broadcast %sub3A : vector<32x1xf32> to vector<32x1024xf32>
    %sub3A_38 = arith.subf %sub3A_37, %mul3A_36 : vector<32x1024xf32>
    %reduce_min3A = arith.constant dense<0x7F800000> : vector<1024xf32>
    %reduce_min3A_39 = vector.multi_reduction <minimumf>, %sub3A_38, %reduce_min3A [0] : vector<32x1024xf32> to vector<1024xf32>
    %broadcast_in_dim3A_40 = vector.shape_cast %reduce_min3A_39 : vector<1024xf32> to vector<1x1024xf32>
    %iota3A = tpu.iota {dimensions = array<i32: 0>} : vector<32x1024xi32>
    %eq3A = vector.broadcast %broadcast_in_dim3A_40 : vector<1x1024xf32> to vector<32x1024xf32>
    %eq3A_41 = arith.cmpf oeq, %sub3A_38, %eq3A : vector<32x1024xf32>
    %jit3A = arith.constant 32 : i32
    %broadcast_in_dim3A_42 = vector.broadcast %jit3A : i32 to vector<32x1024xi32>
    %select_n3A = arith.select %eq3A_41, %iota3A, %broadcast_in_dim3A_42 : vector<32x1024xi1>, vector<32x1024xi32>
    %reduce_min3A_43 = arith.constant dense<2147483647> : vector<1024xi32>
    %reduce_min3A_44 = vector.multi_reduction <minsi>, %select_n3A, %reduce_min3A_43 [0] : vector<32x1024xi32> to vector<1024xi32>
    %broadcast_in_dim3A_45 = vector.shape_cast %reduce_min3A_44 : vector<1024xi32> to vector<1x1024xi32>
    %eq3A_46 = vector.broadcast %broadcast_in_dim3A_45 : vector<1x1024xi32> to vector<32x1024xi32>
    %eq3A_47 = arith.cmpi eq, %iota3A, %eq3A_46 : vector<32x1024xi32>
    %convert_element_type3A = arith.extui %eq3A_47 : vector<32x1024xi1> to vector<32x1024xi32>
    %convert_element_type3A_48 = arith.sitofp %convert_element_type3A : vector<32x1024xi32> to vector<32x1024xf32>
    %reduce_sum3A_49 = arith.constant dense<0.000000e+00> : vector<32xf32>
    %reduce_sum3A_50 = vector.multi_reduction <add>, %convert_element_type3A_48, %reduce_sum3A_49 [1] : vector<32x1024xf32> to vector<32xf32>
    %broadcast_in_dim3A_51 = vector.shape_cast %reduce_sum3A_50 : vector<32xf32> to vector<32x1xf32>
    %dot_general3A_52 = arith.constant dense<0.000000e+00> : vector<32x128xf32>
    %dot_general3A_53 = tpu.matmul %convert_element_type3A_48, %get3A_8, %dot_general3A_52 {dimension_numbers = #tpu.dot_dimension_numbers<[1], [1], [0], [0], [0, 0, 1, 0], [], []>, transpose_lhs_hint = false} : vector<32x1024xf32>, vector<128x1024xf32>, vector<32x128xf32> -> vector<32x128xf32>
    %reduce_max3A = arith.constant dense<0xFF800000> : vector<1024xf32>
    %reduce_max3A_54 = vector.multi_reduction <maximumf>, %get3A_8, %reduce_max3A [0] : vector<128x1024xf32> to vector<1024xf32>
    %broadcast_in_dim3A_55 = vector.shape_cast %reduce_max3A_54 : vector<1024xf32> to vector<1x1024xf32>
    %sub3A_56 = vector.broadcast %broadcast_in_dim3A_55 : vector<1x1024xf32> to vector<128x1024xf32>
    %sub3A_57 = arith.subf %get3A_8, %sub3A_56 : vector<128x1024xf32>
    %exp3A = math.exp %sub3A_57 : vector<128x1024xf32>
    %reduce_sum3A_58 = arith.constant dense<0.000000e+00> : vector<1024xf32>
    %reduce_sum3A_59 = vector.multi_reduction <add>, %exp3A, %reduce_sum3A_58 [0] : vector<128x1024xf32> to vector<1024xf32>
    %broadcast_in_dim3A_60 = vector.shape_cast %reduce_sum3A_59 : vector<1024xf32> to vector<1x1024xf32>
    %log3A = math.log %broadcast_in_dim3A_60 : vector<1x1024xf32>
    %add3A = arith.addf %broadcast_in_dim3A_55, %log3A : vector<1x1024xf32>
    %reduce_sum3A_61 = vector.shape_cast %add3A : vector<1x1024xf32> to vector<1x1x1024xf32>
    %reduce_sum3A_62 = arith.constant dense<0.000000e+00> : vector<1xf32>
    %reduce_sum3A_63 = vector.multi_reduction <add>, %reduce_sum3A_61, %reduce_sum3A_62 [1, 2] : vector<1x1x1024xf32> to vector<1xf32>
    %reduce_sum3A_64 = vector.shape_cast %reduce_sum3A_63 : vector<1xf32> to vector<1x1x1xf32>
    %reduce_sum3A_65 = vector.extract %reduce_sum3A_64[0, 0, 0] : f32 from vector<1x1x1xf32>
    %broadcast_in_dim3A_66 = vector.broadcast %reduce_sum3A_65 : f32 to vector<1x1xf32>
    %log3A_67 = math.log %get3A_24 : vector<32x128xf32>
    %mul3A_68 = arith.mulf %get3A_24, %log3A_67 : vector<32x128xf32>
    %reduce_sum3A_69 = arith.constant dense<0.000000e+00> : vector<32xf32>
    %reduce_sum3A_70 = vector.multi_reduction <add>, %mul3A_68, %reduce_sum3A_69 [1] : vector<32x128xf32> to vector<32xf32>
    %broadcast_in_dim3A_71 = vector.shape_cast %reduce_sum3A_70 : vector<32xf32> to vector<32x1xf32>
    %mul3A_72 = arith.mulf %broadcast_in_dim3A_51, %broadcast_in_dim3A_71 : vector<32x1xf32>
    %reduce_sum3A_73 = vector.shape_cast %mul3A_72 : vector<32x1xf32> to vector<1x32x1xf32>
    %reduce_sum3A_74 = arith.constant dense<0.000000e+00> : vector<1xf32>
    %reduce_sum3A_75 = vector.multi_reduction <add>, %reduce_sum3A_73, %reduce_sum3A_74 [1, 2] : vector<1x32x1xf32> to vector<1xf32>
    %reduce_sum3A_76 = vector.shape_cast %reduce_sum3A_75 : vector<1xf32> to vector<1x1x1xf32>
    %reduce_sum3A_77 = vector.extract %reduce_sum3A_76[0, 0, 0] : f32 from vector<1x1x1xf32>
    %broadcast_in_dim3A_78 = vector.broadcast %reduce_sum3A_77 : f32 to vector<1x1xf32>
    %mul3A_79 = arith.mulf %dot_general3A_53, %get3A_24 : vector<32x128xf32>
    %reduce_sum3A_80 = vector.shape_cast %mul3A_79 : vector<32x128xf32> to vector<1x32x128xf32>
    %reduce_sum3A_81 = arith.constant dense<0.000000e+00> : vector<1xf32>
    %reduce_sum3A_82 = vector.multi_reduction <add>, %reduce_sum3A_80, %reduce_sum3A_81 [1, 2] : vector<1x32x128xf32> to vector<1xf32>
    %reduce_sum3A_83 = vector.shape_cast %reduce_sum3A_82 : vector<1xf32> to vector<1x1x1xf32>
    %reduce_sum3A_84 = vector.extract %reduce_sum3A_83[0, 0, 0] : f32 from vector<1x1x1xf32>
    %broadcast_in_dim3A_85 = vector.broadcast %reduce_sum3A_84 : f32 to vector<1x1xf32>
    %sub3A_86 = arith.subf %broadcast_in_dim3A_78, %broadcast_in_dim3A_85 : vector<1x1xf32>
    %add3A_87 = arith.addf %sub3A_86, %broadcast_in_dim3A_66 : vector<1x1xf32>
    %eq3A_88 = arith.constant 0 : i32
    %eq3A_89 = arith.cmpi eq, %arg0, %eq3A_88 : i32
    %convert_element_type3A_90 = arith.extui %eq3A_89 : i1 to i32
    %cond3A = arith.constant 0 : i32
    %cond3A_91 = arith.cmpi ne, %convert_element_type3A_90, %cond3A : i32
    scf.if %cond3A_91 {
      %broadcast_in_dim3A_98 = arith.constant 0.000000e+00 : f32
      %broadcast_in_dim3A_99 = vector.broadcast %broadcast_in_dim3A_98 : f32 to vector<1x1xf32>
      %swap3A_100 = arith.constant 0 : index
      %swap3A_101 = arith.constant 0 : index
      %swap3A_102 = vector.load %arg7[%swap3A_100, %swap3A_101] : memref<1x1xf32, #tpu.memory_space<vmem>>, vector<1x1xf32>
      tpu.vector_store %arg7[%swap3A_100, %swap3A_101], %broadcast_in_dim3A_99 {strides = array<i32>} : memref<1x1xf32, #tpu.memory_space<vmem>>, vector<1x1xf32>,
    } else {
    }
    %get3A_92 = arith.constant 0 : index
    %get3A_93 = arith.constant 0 : index
    %get3A_94 = vector.load %arg7[%get3A_92, %get3A_93] : memref<1x1xf32, #tpu.memory_space<vmem>>, vector<1x1xf32>
    %add3A_95 = arith.addf %get3A_94, %add3A_87 : vector<1x1xf32>
    %swap3A = arith.constant 0 : index
    %swap3A_96 = arith.constant 0 : index
    %swap3A_97 = vector.load %arg7[%swap3A, %swap3A_96] : memref<1x1xf32, #tpu.memory_space<vmem>>, vector<1x1xf32>
    tpu.vector_store %arg7[%swap3A, %swap3A_96], %add3A_95 {strides = array<i32>} : memref<1x1xf32, #tpu.memory_space<vmem>>, vector<1x1xf32>,
    return
  }
  func.func @transform_0(%arg0: i32) -> (i32, i32, i32) {
    %c0_i32 = arith.constant 0 : i32
    %c0_i32_0 = arith.constant 0 : i32
    %c0_i32_1 = arith.constant 0 : i32
    return %arg0, %c0_i32, %c0_i32_0 : i32, i32, i32
  }
  func.func @transform_1(%arg0: i32) -> (i32, i32, i32) {
    %c0_i32 = arith.constant 0 : i32
    %c0_i32_0 = arith.constant 0 : i32
    %c0_i32_1 = arith.constant 0 : i32
    return %arg0, %c0_i32, %c0_i32_0 : i32, i32, i32
  }
  func.func @transform_2(%arg0: i32) -> (i32, i32) {
    %c0_i32 = arith.constant 0 : i32
    %c0_i32_0 = arith.constant 0 : i32
    %c0_i32_1 = arith.constant 0 : i32
    return %c0_i32, %c0_i32_0 : i32, i32
  }
  func.func @transform_3(%arg0: i32) -> (i32, i32) {
    %c0_i32 = arith.constant 0 : i32
    %c0_i32_0 = arith.constant 0 : i32
    %c0_i32_1 = arith.constant 0 : i32
    return %c0_i32, %c0_i32_0 : i32, i32
  }
  func.func @transform_4(%arg0: i32) -> (i32, i32, i32) {
    %c0_i32 = arith.constant 0 : i32
    %c0_i32_0 = arith.constant 0 : i32
    %c0_i32_1 = arith.constant 0 : i32
    return %arg0, %c0_i32, %c0_i32_0 : i32, i32, i32
  }
  func.func @transform_5(%arg0: i32) -> (i32, i32, i32) {
    %c0_i32 = arith.constant 0 : i32
    %c0_i32_0 = arith.constant 0 : i32
    %c0_i32_1 = arith.constant 0 : i32
    return %arg0, %c0_i32, %c0_i32_0 : i32, i32, i32
  }
  func.func @transform_6(%arg0: i32) -> (i32, i32) {
    %c0_i32 = arith.constant 0 : i32
    %c0_i32_0 = arith.constant 0 : i32
    %c0_i32_1 = arith.constant 0 : i32
    return %c0_i32, %c0_i32_0 : i32, i32
  }
}

</mosaic_0001>

<sc_bundles>
// kernel: kernel.4.cloned.1.call-start
scs
__scs_entry_jumppad:
0x0: {  	(pc) =	sbr.rel $0x88, $3  }
0x1: {  	(tag) =	ssettag $0x0;
	lr =	simm.s32 $0x1  }
0x2: {  	[smem:$0x3F9A] =	sst lr;
	_ =	strace $0xD0000000  }
0x3: {  	_ = 	snop  }
0x4: {  	_ = 	snop  }
0x5: {  	_ = 	snop  }
0x6: {  	_ = 	snop  }
0x7: {  	_ = 	snop  }
__scs_overlays_trampoline_lowered:
0x8: {  	[smem:$0x3FA9] =	sst s0  }
0x9: {  	[smem:$0x3FAA] =	sst s1  }
0xa: {  	[smem:$0x3FAB] =	sst s2  }
0xb: {  	[smem:$0x3FAC] =	sst s3  }
0xc: {  	[smem:$0x3FAD] =	sst s4  }
0xd: {  	[smem:$0x3FAE] =	sst s5  }
0xe: {  	[smem:$0x3FAF] =	sst s6  }
0xf: {  	[smem:$0x3FB0] =	sst s7  }
0x10: {  	[smem:$0x3FB1] =	sst s8  }
0x11: {  	[smem:$0x3FB2] =	sst s9;
	s0 =	simm.s32 @!p0 $0x0  }
0x12: {  	s1 =	sld [smem:$0x3F98];
	s0 =	simm.s32 @p0 $0x1  }
0x13: {  	[smem:$0x3FB3] =	sst s0;
	s0 =	simm.s32 @!p1 $0x0  }
0x14: {  	s2 =	sld [smem:$0x3F97];
	s0 =	simm.s32 @p1 $0x1  }
0x15: {  	[smem:$0x3FB4] =	sst s0;
	s0 =	simm.s32 @!p2 $0x0  }
0x16: {  	s3 =	sld [smem:$0x3FDB];
	s0 =	simm.s32 @p2 $0x1  }
0x17: {  	s4 =	simm.s32 $0x1BF5;
	[smem:$0x3FB6] =	sst s0  }
0x18: {  	s0 =	sld [smem:$0x3F99];
	_ =	swait.ge [sflag:s4], $0x0  }
0x19: {  	s7 =	sld [smem:$0x3F9A]  }
0x1a: {  	s8 =	sadd.s32 $0xFFFFE003, lr  }
0x1b: {  	s9 =	sadd.s32 $0xFFFFFEF7, lr;
	s5 =	simm.s32 $0xFFFFFFFF;
	p2 =	slt.u32 s8, $0xFFFFF086  }
0x1c: {  	p1 =	slt.u32 s9, $0xF7A;
	s5 =	simm.s32 @!p2 $0x0  }
0x1d: {  	s5 =	simm.s32 @p1 $0x1;
	p0 =	seq.s32 s7, s2  }
0x1e: {  	s7 =	smul.u32 @!p0 $0xF7A, s2;
	p2 =	seq.s32 @!p0 s5, $0x0  }
0x1f: {  	s9 =	smul.u32 $0xF7A, s1;
	s8 =	simm.s32 @!p0 $0x1BF5;
	p2 =	por !p2, p0  }
0x20: {  	[sflag:s8] =	ssyncset.s32 @!p0 $0xFFFFF086;
	s6 =	sadd.s32 @!p0 s3, s7;
	s7 =	simm.s32 @!p0 $0x108  }
0x21: {  	s3 =	sadd.s32 s3, s9;
	s6 =	sadd.s32 @!p0 $0x88, s6;
	s7 =	simm.s32 @p2 $0x1082  }
0x22: {  	[simem:s7], [sflag:s8] =	dma.local @!p0 [hbm:s6], $0xF7A  }
0x23: {  	s9 =	sor.u32 $0xD0000000, s2;
	s6 =	simm.s32 $0x108;
	_ =	swait.ge @!p0 [sflag:s8], $0x0  }
0x24: {  	s3 =	sadd.s32 $0x88, s3;
	s6 =	simm.s32 @!p1 $0x1082;
	[sflag:s4] =	ssyncset.s32 $0xFFFFF086  }
0x25: {  	[simem:s6], [sflag:s4] =	dma.local [hbm:s3], $0xF7A  }
0x26: {  	[smem:$0x3F9A] =	sst s1;
	(tag) =	ssettag s2;
	_ =	strace s9  }
0x27: {  	s1 =	sld [smem:$0x3FAA]  }
0x28: {  	s2 =	sld [smem:$0x3FAB]  }
0x29: {  	s4 =	sld [smem:$0x3FAD]  }
0x2a: {  	p0 =	seq.s32 s5, $0x0;
	s5 =	sld [smem:$0x3FAE]  }
0x2b: {  	s6 =	sld [smem:$0x3FAF]  }
0x2c: {  	s7 =	sld [smem:$0x3FB0]  }
0x2d: {  	s3 =	simm.s32 $0x108;
	s8 =	sld [smem:$0x3FB1]  }
0x2e: {  	s3 =	simm.s32 @!p0 $0x1082;
	s9 =	sld [smem:$0x3FB2]  }
0x2f: {  	lr =	sadd.s32 s0, s3;
	s0 =	sld [smem:$0x3FA9]  }
0x30: {  	s3 =	sld [smem:$0x3FAC]  }
0x31: {  	[smem:$0x3FB5] =	sst s10  }
0x32: {  	s10 =	sld [smem:$0x3FB3];
	_ =	sdelay $0x3  }
0x33: {  	p0 =	seq.s32 s10, $0x1;
	s10 =	sld [smem:$0x3FB5];
	_ =	sdelay $0x3  }
0x34: {  	[smem:$0x3FB5] =	sst s10  }
0x35: {  	s10 =	sld [smem:$0x3FB4];
	_ =	sdelay $0x3  }
0x36: {  	p1 =	seq.s32 s10, $0x1;
	s10 =	sld [smem:$0x3FB5];
	_ =	sdelay $0x3  }
0x37: {  	[smem:$0x3FB5] =	sst s10  }
0x38: {  	s10 =	sld [smem:$0x3FB6]  }
0x39: {  	_ = 	snop;
	(pc) =	sbr.ind lr, $3  }
0x3a: {  	_ = 	snop  }
0x3b: {  	_ = 	snop  }
0x3c: {  	p2 =	seq.s32 s10, $0x1;
	s10 =	sld [smem:$0x3FB5]  }
0x3d: {  	_ =	shalt  }
0x3e: {  	_ =	shalt  }
0x3f: {  	_ =	shalt  }
0x40: {  	_ =	shalt  }
0x41: {  	_ =	shalt  }
0x42: {  	_ =	shalt  }
0x43: {  	_ =	shalt  }
0x44: {  	_ =	shalt  }
0x45: {  	_ =	shalt  }
0x46: {  	_ =	shalt  }
0x47: {  	_ =	shalt  }
0x48: {  	_ =	shalt  }
0x49: {  	_ =	shalt  }
0x4a: {  	_ =	shalt  }
0x4b: {  	_ =	shalt  }
0x4c: {  	_ =	shalt  }
0x4d: {  	_ =	shalt  }
0x4e: {  	_ =	shalt  }
0x4f: {  	_ =	shalt  }
0x50: {  	_ =	shalt  }
0x51: {  	_ =	shalt  }
0x52: {  	_ =	shalt  }
0x53: {  	_ =	shalt  }
0x54: {  	_ =	shalt  }
0x55: {  	_ =	shalt  }
0x56: {  	_ =	shalt  }
0x57: {  	_ =	shalt  }
0x58: {  	_ =	shalt  }
0x59: {  	_ =	shalt  }
0x5a: {  	_ =	shalt  }
0x5b: {  	_ =	shalt  }
0x5c: {  	_ =	shalt  }
0x5d: {  	_ =	shalt  }
0x5e: {  	_ =	shalt  }
0x5f: {  	_ =	shalt  }
0x60: {  	_ =	shalt  }
0x61: {  	_ =	shalt  }
0x62: {  	_ =	shalt  }
0x63: {  	_ =	shalt  }
0x64: {  	_ =	shalt  }
0x65: {  	_ =	shalt  }
0x66: {  	_ =	shalt  }
0x67: {  	_ =	shalt  }
0x68: {  	_ =	shalt  }
0x69: {  	_ =	shalt  }
0x6a: {  	_ =	shalt  }
0x6b: {  	_ =	shalt  }
0x6c: {  	_ =	shalt  }
0x6d: {  	_ =	shalt  }
0x6e: {  	_ =	shalt  }
0x6f: {  	_ =	shalt  }
0x70: {  	_ =	shalt  }
0x71: {  	_ =	shalt  }
0x72: {  	_ =	shalt  }
0x73: {  	_ =	shalt  }
0x74: {  	_ =	shalt  }
0x75: {  	_ =	shalt  }
0x76: {  	_ =	shalt  }
0x77: {  	_ =	shalt  }
0x78: {  	_ =	shalt  }
0x79: {  	_ =	shalt  }
0x7a: {  	_ =	shalt  }
0x7b: {  	_ =	shalt  }
0x7c: {  	_ =	shalt  }
0x7d: {  	_ =	shalt  }
0x7e: {  	_ =	shalt  }
0x7f: {  	_ =	shalt  }
0x80: {  	_ =	shalt  }
0x81: {  	_ =	shalt  }
0x82: {  	_ =	shalt  }
0x83: {  	_ =	shalt  }
0x84: {  	_ =	shalt  }
0x85: {  	_ =	shalt  }
0x86: {  	_ =	shalt  }
0x87: {  	_ =	shalt  }
.Lfunc_end0:
.L_simem_size_0:
called_computation_lowered:
.L_overlay_start_0:
0x88: {  	s2 =	sld [smem:$0x3FD9]  }
0x89: {  	s3 =	sld [smem:$0x3FFE];
	_ =	sdelay $0x1  }
0x8a: {  	s1 =	srdreg.scid  }
0x8b: {  	s0 =	sand.u32 $0x1, s1  }
0x8c: {  	s17 =	sshll.u32 s0, $0xA;
	s2 =	sadd.s32 s3, s2  }
0x8d: {  	s2 =	sadd.s32 s2, s17  }
0x8e: {  	[smem:$0x3FC1] =	sst s2  }
0x8f: {  	_ = 	snop  }
0x90: {  	s2 =	sld [smem:$0x3FC7]  }
0x91: {  	s18 =	sld [smem:$0x3FC4]  }
0x92: {  	s4 =	sld [smem:$0x3FC3];
	(tm) =	ssettm $0x1  }
0x93: {  	s5 =	sld [smem:$0x3FFB];
	_ =	sdelay $0x3  }
0x94: {  	_ =	strace s5  }
0x95: {  	s5 =	sld [smem:$0x3FFC];
	_ =	sdelay $0x3  }
0x96: {  	_ =	strace s5  }
0x97: {  	s5 =	sld [smem:$0x3FFD];
	_ =	sdelay $0x3  }
0x98: {  	_ =	strace s5  }
0x99: {  	_ =	strace $0x8FFFFFFF  }
0x9a: {  	s19 =	sld [smem:$0x3FDB];
	_ =	sdelay $0x1  }
0x9b: {  	s6 =	simm.s32 $_scs_section_size  }
0x9c: {  	s7 =	simm.s32 $_size__tile_overlayer_lowered;
	s8 =	simm.s32 $_tile_overlayer_lowered  }
0x9d: {  	s22 =	simm.s32 $0x1BFF;
	s21 =	sshll.u32 s8, $0x1;
	s5 =	sadd.s32 s6, s19  }
0x9e: {  	s9 =	simm.s32 $0x0;
	s20 =	sshll.u32 s7, $0x1;
	s7 =	sadd.s32 s21, s5  }
0x9f: {  	[timem:s9], [sflag:s22] =	dma.local [hbm:s7], s20  }
0xa0: {  	_ =	swait.ge [sflag:s22], s20  }
0xa1: {  	s6 =	ssub.s32 $0x0, s20;
	[sflag:s22] =	ssyncset.done $0x0  }
0xa2: {  	[sflag:s22] =	ssyncadd.s32 s6;
	_ =	sdelay $0x1  }
0xa3: {  	s23 =	simm.s32 $0x1B8B  }
0xa4: {  	_ =	swait.ge [sflag:s23], $0x1  }
0xa5: {  	[sflag:s23] =	ssyncset.done $0x0  }
0xa6: {  	s25 =	simm.s32 $0x1B8E;
	s24 =	sld [smem:$0x3FFE];
	[sflag:s23] =	ssyncadd.s32 $0xFFFFFFFF  }
0xa7: {  	s26 =	simm.s32 $execute0_lowered;
	[smem:$0x3FD2] =	sst s25  }
0xa8: {  	s7 =	sshll.u32 s26, $0x1;
	_ =	strace $0x80000046;
	[dreg:$0x1] =	wrdreg $0xFFFFFFFF  }
0xa9: {  	s28 =	simm.s32 $_size_execute0_lowered;
	s5 =	sadd.s32 s5, s7;
	[dreg:$0x0] =	wrdreg $0x0  }
0xaa: {  	s7 =	sshll.u32 s28, $0x1;
	[dreg:$0x2] =	wrdreg s5  }
0xab: {  	[dreg:$0x3] =	wrdreg s7  }
0xac: {  	[dreg:$0x4] =	wrdreg $0xC0  }
0xad: {  	_ =	task [dreg:s9], $0x5FFFF  }
0xae: {  	[dreg:$0x1] =	wrdreg $0xFFFFFFFF  }
0xaf: {  	[dreg:$0x0] =	wrdreg $0x60  }
0xb0: {  	[dreg:$0x2] =	wrdreg s2  }
0xb1: {  	[dreg:$0x3] =	wrdreg s18  }
0xb2: {  	[dreg:$0x4] =	wrdreg s4  }
0xb3: {  	[dreg:$0x5] =	wrdreg s24  }
0xb4: {  	[dreg:$0x6] =	wrdreg $0x9  }
0xb5: {  	_ =	task.clear_ibuf [dreg:s9], $0x7FFFF;
	_ =	strace $0x90000046  }
0xb6: {  	s29 =	simm.s32 $0x9;
	_ =	strace $0x80000048  }
0xb7: {  	_ =	swait.ge [sflag:s29], $0x1  }
0xb8: {  	[sflag:s29] =	ssyncadd.s32 $0xFFFFFFFF  }
0xb9: {  	_ =	strace $0x90000048  }
0xba: {  	_ =	sfence  }
0xbb: {  	s30 =	sld [smem:$0x0];
	_ =	sdelay $0x2  }
0xbc: {  	s31 =	sshll.u32 s1, $0xD;
	s1 =	sshrl.u32 s1, $0x2  }
0xbd: {  	s3 =	sand.u32 $0x4000, s31;
	s1 =	sadd.s32 s1, s30  }
0xbe: {  	s0 =	sor.u32 s3, s0;
	s1 =	sshll.u32 s1, $0x11  }
0xbf: {  	s0 =	sor.u32 s1, s0  }
0xc0: {  	s0 =	sadd.s32 $0x8F2B, s0  }
0xc1: {  	[sflag:s0] =	ssyncadd.remote.s32 $0x1  }
0xc2: {  	_ =	sfence.sel $0xFFFF  }
0xc3: {  	[dreg:$0x0] =	wrdreg $0xFFFFFFFF;
	(pc) =	sbr.abs _section_cstart, $3  }
0xc4: {  	[dreg:$0x1] =	wrdreg $0xFFFFFFFF  }
0xc5: {  	_ =	task.clear_ibuf [dreg:s9], $0x2FFFF;
	_ =	strace $0x9FFFFFFF  }
0xc6: {  	(tm) =	ssettm $0x7FFFFFFF  }
0xc7: {  	_ =	shalt  }
tec
execute0_lowered:
.L_overlay_start_1:
0x0: {  	(tag) =	ssettag $0x1  }
0x1: {  	s1 =	rddreg [dreg:$0x0]  }
0x2: {  	s2 =	rddreg [dreg:$0x1]  }
0x3: {  	s3 =	rddreg [dreg:$0x2]  }
0x4: {  	s13 =	rddreg [dreg:$0x3];
	s4 =	simm.s32 $0x0  }
0x5: {  	[smem:$0x7FF] =	sst s4  }
0x6: {  	s0 =	rddreg [dreg:$0x4];
	s5 =	simm.s32 $0x3;
	_ =	strace $0x80000047  }
0x7: {  	[tilespmem:s4], [sflag:$0x3] =	stream.linear.gather [hbm4b:s1+s4], $0x80, $0x38;
	[tilespmem:$0x1100] =	vst v63  }
0x8: {  	_ =	swait.ge [sflag:s5], $0x80  }
0x9: {  	[sflag:s5] =	ssyncset.done $0x0  }
0xa: {  	[sflag:s5] =	ssyncadd.s32 $0xFFFFFF80  }
0xb: {  	v1 =	vld [tilespmem:$0x0];
	_ =	sdelay $0x1  }
0xc: {  	s7 =	srdreg.scid;
	s6 =	stileid.u32  }
0xd: {  	s14 =	sand.u32 $0x1, s7;
	s31 =	sshll.u32 s6, $0x1  }
0xe: {  	s15 =	sor.u32 s14, s31  }
0xf: {  	v0 =	vmov s15;
	v1 =	vshll.u32 v1, $0x5  }
0x10: {  	v1 =	vor.u32 v0, v1  }
0x11: {  	s8 =	simm.s32 $0x80;
	s9 =	simm.s32 $0x100;
	s7 =	simm.s32 $0x10;
	[tilespmem:$0x80] =	vst v1  }
0x12: {  	[tilespmem:s9], [sflag:$0x1] =	stream.indirect.gather [hbm4b:s2+s7], $0x80, s8, s7, $0xb8;
	[tilespmem:$0x1100] =	vst v63  }
0x13: {  	s10 =	simm.s32 $0x900;
	s11 =	simm.s32 $0x1  }
0x14: {  	[tilespmem:s10], [sflag:$0x2] =	stream.indirect.gather [hbm4b:s3+s7], $0x80, s8, s7, $0xb8;
	[tilespmem:$0x1100] =	vst v63  }
0x15: {  	_ =	swait.ge [sflag:s11], $0x800  }
0x16: {  	s12 =	simm.s32 $0x2;
	[sflag:s11] =	ssyncset.done $0x0  }
0x17: {  	s16 =	ssub.s32 $0x2, s14;
	s14 =	simm.s32 $0x1000;
	[sflag:s11] =	ssyncadd.s32 $0xFFFFF800  }
0x18: {  	s15 =	sshll.u32 s15, $0x4;
	s17 =	sshrl.u32 s16, $0x1;
	_ =	swait.ge [sflag:s12], $0x800  }
0x19: {  	s15 =	sadd.s32 s15, s13;
	s16 =	ssub.s32 s16, s17;
	[sflag:s12] =	ssyncset.done $0x0  }
0x1a: {  	s13 =	sadd.s32 $0x1200, s15;
	s16 =	smax.u32 s16, $0x1;
	[sflag:s12] =	ssyncadd.s32 $0xFFFFF800  }
0x1b: {  	[hbm4b:s13+s8] =	stream.strided.scatter [tilespmem:s9], [sflag:$0x3], $0x800, s14, s8, $0x38;
	[tilespmem:$0x1100] =	vst v63  }
0x1c: {  	p0 =	sne.s32 s16, $0x1;
	_ =	swait.ge [sflag:s5], $0x800  }
.Ltmp0:
0x1d: {  	[sflag:s5] =	ssyncset.done $0x0;
	(pc) =	sbr.rel @!p0 .LBB2_2-.Ltmp0, $4  }
0x1e: {  	s15 =	sadd.s32 $0x3200, s15;
	[sflag:s5] =	ssyncadd.s32 $0xFFFFF800  }
0x1f: {  	[hbm4b:s15+s8] =	stream.strided.scatter [tilespmem:s10], [sflag:$0x3], $0x800, s14, s8, $0x38;
	[tilespmem:$0x1100] =	vst v63  }
0x20: {  	_ =	swait.ge [sflag:s5], $0x800  }
0x21: {  	s16 =	sadd.s32 $0xFFFFFFFF, s16;
	[sflag:s5] =	ssyncset.done $0x0  }
.LBB2_1:
0x22: {  	p0 =	sne.s32 s16, $0x1;
	s16 =	sadd.s32 $0xFFFFFFFF, s16;
	[sflag:s5] =	ssyncadd.s32 $0xFFFFF800  }
0x23: {  	[tilespmem:s4], [sflag:$0x3] =	stream.linear.gather [hbm4b:s1+s4], $0x80, $0x38;
	[tilespmem:$0x1100] =	vst v63  }
0x24: {  	_ =	swait.ge [sflag:s5], $0x80  }
0x25: {  	[sflag:s5] =	ssyncset.done $0x0  }
0x26: {  	[sflag:s5] =	ssyncadd.s32 $0xFFFFFF80  }
0x27: {  	v1 =	vld [tilespmem:$0x0];
	_ =	sdelay $0x4  }
0x28: {  	v1 =	vshll.u32 v1, $0x5  }
0x29: {  	v1 =	vor.u32 v0, v1  }
0x2a: {  	[tilespmem:$0x80] =	vst v1  }
0x2b: {  	[tilespmem:s9], [sflag:$0x1] =	stream.indirect.gather [hbm4b:s2+s7], $0x80, s8, s7, $0xb8;
	[tilespmem:$0x1100] =	vst v63  }
0x2c: {  	_ = 	snop  }
0x2d: {  	[tilespmem:s10], [sflag:$0x2] =	stream.indirect.gather [hbm4b:s3+s7], $0x80, s8, s7, $0xb8;
	[tilespmem:$0x1100] =	vst v63  }
0x2e: {  	_ =	swait.ge [sflag:s11], $0x800  }
0x2f: {  	[sflag:s11] =	ssyncset.done $0x0  }
0x30: {  	[sflag:s11] =	ssyncadd.s32 $0xFFFFF800  }
0x31: {  	_ =	swait.ge [sflag:s12], $0x800  }
0x32: {  	[sflag:s12] =	ssyncset.done $0x0  }
0x33: {  	[sflag:s12] =	ssyncadd.s32 $0xFFFFF800  }
0x34: {  	[hbm4b:s13+s8] =	stream.strided.scatter [tilespmem:s9], [sflag:$0x3], $0x800, s14, s8, $0x38;
	[tilespmem:$0x1100] =	vst v63  }
0x35: {  	_ =	swait.ge [sflag:s5], $0x800  }
.Ltmp1:
0x36: {  	[sflag:s5] =	ssyncset.done $0x0;
	(pc) =	sbr.rel @p0 .LBB2_1-.Ltmp1, $4  }
0x37: {  	[sflag:s5] =	ssyncadd.s32 $0xFFFFF800  }
0x38: {  	[hbm4b:s15+s8] =	stream.strided.scatter [tilespmem:s10], [sflag:$0x3], $0x800, s14, s8, $0x38;
	[tilespmem:$0x1100] =	vst v63  }
0x39: {  	_ =	swait.ge [sflag:s5], $0x800  }
0x3a: {  	[sflag:s5] =	ssyncset.done $0x0  }
.LBB2_2:
0x3b: {  	[sflag:s5] =	ssyncadd.s32 $0xFFFFF800  }
0x3c: {  	_ =	sfence.sel $0x180000  }
0x3d: {  	[bflag:$0x0] =	sbarrier.arrive $0xFFFF  }
0x3e: {  	p0 =	sne.s32 s6, $0x0;
	_ =	strace $0x90000047  }
0x3f: {  	s0 =	sadd.s32 @!p0 $0x100000, s0;
	[bflag:$0x2] =	sbarrier.arrive $0xFFFF  }
0x40: {  	[sflag:s0] =	ssyncadd.tile.s32 @!p0 $0x1;
	_ =	shalt  }
.Lfunc_end2:
_tile_overlayer_lowered:
.L_overlay_start_2:
0x41: {  	(tag) =	ssettag $0x2  }
0x42: {  	s0 =	rddreg [dreg:$0x0];
	s2 =	stileid.u32  }
0x43: {  	s1 =	rddreg [dreg:$0x1];
	p0 =	sne.s32 s2, $0x0  }
0x44: {  	s3 =	rddreg [dreg:$0x2];
	[bflag:$0x3] =	sbarrier.arrive $0xFFFF;
	s2 =	simm.s32 @!p0 $0x1C03  }
0x45: {  	[timem:s3], [sflag:s2] =	dma.local @!p0 [hbm:s0], s1  }
0x46: {  	s0 =	simm.s32 @!p0 $0x3  }
0x47: {  	_ =	swait.ge @!p0 [sflag:s0], s1  }
0x48: {  	s1 =	ssub.s32 @!p0 $0x0, s1;
	[sflag:s0] =	ssyncset.done @!p0 $0x0  }
0x49: {  	[sflag:s0] =	ssyncadd.s32 @!p0 s1  }
0x4a: {  	[bflag:$0x3] =	sbarrier.arrive $0xFFFF  }
0x4b: {  	_ =	shalt  }

</sc_bundles>
